<compile_context>
chip_gen: v7x
topology: tpu7x:2x2x1
jax: 0.10.2.dev20260603
libtpu: 0.0.44.dev20260713+nightly
codegen_flags: <defaults>
</compile_context>

<pallas_src>
import functools

import jax
import jax.numpy as jnp
from jax import lax
from jax.experimental import pallas as pl
from jax.experimental.pallas import tpu as pltpu
from jax.experimental.pallas import tpu_sc as plsc

V = 1000000
B = 4096
S = 200
D = 64
NC = 2
NS = 16
NW = NC * NS
ROWS_PER_W = B // NW
CSIZE = (96, 104, 96, 104)
COFF = (0, 96, 200, 296)
NCHUNK = 4
PREP_BLK = 32768


def _tc_dup_table(emb_t):

    def dup_kernel(x_ref, o_ref):
        xt = x_ref[...].T
        o_ref[...] = jnp.concatenate([xt, xt], axis=1)

    return pl.pallas_call(
        dup_kernel,
        grid=(pl.cdiv(V, PREP_BLK),),
        in_specs=[pl.BlockSpec((D, PREP_BLK), lambda i: (0, i))],
        out_specs=pl.BlockSpec((PREP_BLK, 2 * D), lambda i: (i, 0)),
        out_shape=jax.ShapeDtypeStruct((V, 2 * D), jnp.float32),
        compiler_params=pltpu.CompilerParams(
            vmem_limit_bytes=100 * 1024 * 1024
        ),
    )(emb_t)


def _sc_pooled_features(idx_all, table_dup):
    mesh = plsc.VectorSubcoreMesh(
        core_axis_name="c", subcore_axis_name="s", num_cores=NC, num_subcores=NS
    )

    @functools.partial(
        pl.kernel,
        out_type=jax.ShapeDtypeStruct((B, 2 * D), jnp.float32),
        mesh=mesh,
        scratch_types=[
            pltpu.VMEM((ROWS_PER_W * 2 * S,), jnp.int32),
            pltpu.VMEM((CSIZE[0], 2 * D), jnp.float32),
            pltpu.VMEM((CSIZE[1], 2 * D), jnp.float32),
            pltpu.VMEM((CSIZE[2], 2 * D), jnp.float32),
            pltpu.VMEM((CSIZE[3], 2 * D), jnp.float32),
            pltpu.VMEM((ROWS_PER_W, 2 * D), jnp.float32),
            pltpu.SemaphoreType.DMA,
            pltpu.SemaphoreType.DMA,
            pltpu.SemaphoreType.DMA,
            pltpu.SemaphoreType.DMA,
        ],
    )
    def feat_kernel(idx_hbm, table_hbm, out_hbm, idx_v, r0, r1, r2, r3,
                    feat_v, s0, s1, s2, s3):
        wid = lax.axis_index("s") * NC + lax.axis_index("c")
        base = wid * ROWS_PER_W
        sems = (s0, s1, s2, s3)
        rows = (r0, r1, r2, r3)

        pltpu.sync_copy(
            idx_hbm.at[pl.ds(base * 2 * S, ROWS_PER_W * 2 * S)], idx_v
        )

        def fire(row, c):
            pltpu.async_copy(
                table_hbm.at[idx_v.at[pl.ds(row * 2 * S + COFF[c], CSIZE[c])]],
                rows[c],
                sems[c],
            )

        def drain(c):
            pltpu.make_async_copy(
                table_hbm.at[pl.ds(0, CSIZE[c])], rows[c], sems[c]
            ).wait()

        def chunk_max(c, accs):
            def body(j, a):
                return tuple(
                    jnp.maximum(a[k], rows[c][j, pl.ds(k * 16, 16)])
                    for k in range(4)
                )

            return lax.fori_loop(0, CSIZE[c], body, accs, unroll=2)

        neg_inf = tuple(jnp.full((16,), -jnp.inf, jnp.float32) for _ in range(4))

        for c in range(NCHUNK):
            fire(0, c)

        def per_row(i, _):
            p_acc, h_acc = neg_inf, neg_inf
            for c in range(NCHUNK):
                drain(c)
                if c < NCHUNK // 2:
                    p_acc = chunk_max(c, p_acc)
                else:
                    h_acc = chunk_max(c, h_acc)

                @pl.when(i < ROWS_PER_W - 1)
                def _fire_next():
                    fire(i + 1, c)

            for k in range(4):
                feat_v[i, pl.ds(k * 16, 16)] = p_acc[k]
                feat_v[i, pl.ds(D + k * 16, 16)] = h_acc[k]
            return _

        lax.fori_loop(0, ROWS_PER_W, per_row, None)
        pltpu.sync_copy(feat_v, out_hbm.at[pl.ds(base, ROWS_PER_W)])

    return feat_kernel(idx_all, table_dup)


def _tc_head(feat, W, b):

    def head_kernel(x_ref, w_ref, b_ref, o_ref):
        z = jnp.sum(x_ref[...] * w_ref[...], axis=1, keepdims=True)
        o_ref[...] = jax.nn.sigmoid(z + b_ref[0])

    return pl.pallas_call(
        head_kernel,
        in_specs=[
            pl.BlockSpec(memory_space=pltpu.VMEM),
            pl.BlockSpec(memory_space=pltpu.VMEM),
            pl.BlockSpec(memory_space=pltpu.SMEM),
        ],
        out_shape=jax.ShapeDtypeStruct((B, 1), jnp.float32),
    )(feat, W, b)


def kernel(premise, hypothesis, emb_table, W, b):
    idx_all = jnp.concatenate(
        [premise.astype(jnp.int32), hypothesis.astype(jnp.int32)], axis=1
    ).reshape(B * 2 * S)
    table_dup = _tc_dup_table(emb_table.T)
    feat = _sc_pooled_features(idx_all, table_dup)
    return jnp.ravel(_tc_head(feat, W, b))

# --- scband reference (transcript-rebuilt; emitter-appended) ---
"""Pipeline reference for scband-pooled-logistic-regression-19026705121677 (READ-ONLY COPY).

The authoritative reference and input builder live on the scoring server;
editing this copy changes nothing except your own understanding.
"""

import jax, jax.numpy as jnp
import numpy as np

VOCAB = 1000000
EMB_DIM = 64
BATCH = 4096
SEQ = 200


def setup_inputs(seed: int = 0) -> dict:
    key = jax.random.key(seed)
    k1, k2, k3, k4, k5 = jax.random.split(key, 5)
    premise = jax.random.randint(k1, (BATCH, SEQ), 0, VOCAB, dtype=jnp.int64 if jax.config.read('jax_enable_x64') else jnp.int32)
    hypothesis = jax.random.randint(k2, (BATCH, SEQ), 0, VOCAB, dtype=jnp.int64 if jax.config.read('jax_enable_x64') else jnp.int32)
    emb_table = jax.random.normal(k3, (VOCAB, EMB_DIM), dtype=jnp.float32)
    # nn.Linear(2*EMB_DIM, 1)
    bound = 1.0 / np.sqrt(2 * EMB_DIM)
    W = jax.random.uniform(k4, (1, 2 * EMB_DIM), minval=-bound, maxval=bound, dtype=jnp.float32)
    b = jax.random.uniform(k5, (1,), minval=-bound, maxval=bound, dtype=jnp.float32)
    return {"premise": premise, "hypothesis": hypothesis, "emb_table": emb_table, "W": W, "b": b}


def reference(premise, hypothesis, emb_table, W, b):
    # embedding lookup (gather)
    p = jnp.take(emb_table, premise, axis=0)      # [B, S, D]
    h = jnp.take(emb_table, hypothesis, axis=0)   # [B, S, D]
    # max_pool over sequence dim
    p_max = jnp.max(p, axis=1)                    # [B, D]
    h_max = jnp.max(h, axis=1)                    # [B, D]
    x = jnp.concatenate((p_max, h_max), axis=1)   # [B, 2D]
    x = jax.nn.sigmoid(x @ W.T + b)               # [B, 1]
    return jnp.ravel(x)

if __name__ == "__main__":
    import jax
    _d = setup_inputs()
    print(jax.jit(kernel)(*tuple(_d.values())))

</pallas_src>

<mosaic_0001>
#map = affine_map<(d0, d1) -> (0)>
#map1 = affine_map<(d0, d1) -> (0, 0)>
module attributes {stable_mosaic.version = 14 : i64} {
  func.func @feat_kernel(%arg0: i32, %arg1: i32, %arg2: memref<1638400xi32, #tpu.memory_space<hbm>>, %arg3: memref<1000000x128xf32, #tpu.memory_space<hbm>>, %arg4: memref<4096x128xf32, #tpu.memory_space<hbm>>, %arg5: memref<51200xi32, #tpu.memory_space<vmem>>, %arg6: memref<96x128xf32, #tpu.memory_space<vmem>>, %arg7: memref<104x128xf32, #tpu.memory_space<vmem>>, %arg8: memref<96x128xf32, #tpu.memory_space<vmem>>, %arg9: memref<104x128xf32, #tpu.memory_space<vmem>>, %arg10: memref<128x128xf32, #tpu.memory_space<vmem>>, %arg11: memref<!tpu.dma_semaphore, #tpu.memory_space<semaphore_mem>>, %arg12: memref<!tpu.dma_semaphore, #tpu.memory_space<semaphore_mem>>, %arg13: memref<!tpu.dma_semaphore, #tpu.memory_space<semaphore_mem>>, %arg14: memref<!tpu.dma_semaphore, #tpu.memory_space<semaphore_mem>>) attributes {dimension_semantics = [#tpu.dimension_semantics<core_parallel>, #tpu.dimension_semantics<subcore_parallel>], iteration_bounds = array<i64: 2, 16>, scalar_prefetch = 0 : i64, scratch_operands = 10 : i64, tpu.core_type = #tpu.core_type<sc_vector_subcore>, window_params = [{transform_indices = #map}, {transform_indices = #map1}, {transform_indices = #map1}]} {
    %mul3A = arith.constant 2 : i32
    %mul3A_0 = arith.muli %arg1, %mul3A : i32
    %add3A = arith.addi %mul3A_0, %arg0 : i32
    %mul3A_1 = arith.constant 128 : i32
    %mul3A_2 = arith.muli %add3A, %mul3A_1 : i32
    %mul3A_3 = arith.constant 2 : i32
    %mul3A_4 = arith.muli %mul3A_2, %mul3A_3 : i32
    %mul3A_5 = arith.constant 200 : i32
    %mul3A_6 = arith.muli %mul3A_4, %mul3A_5 : i32
    "tpu.region"() ({
      %run_scoped3A = tpu.sem_alloc : memref<!tpu.dma_semaphore, #tpu.memory_space<semaphore_mem>>
      %dma_start3A_37 = tpu.memref_slice %arg2[%mul3A_6] : memref<1638400xi32, #tpu.memory_space<hbm>> -> memref<51200xi32, #tpu.memory_space<hbm>>
      %dma_start3A_38 = tpu.memref_slice %arg2[%mul3A_6] : memref<1638400xi32, #tpu.memory_space<hbm>> -> memref<51200xi32, #tpu.memory_space<hbm>>
      tpu.enqueue_dma source(%dma_start3A_38 : memref<51200xi32, #tpu.memory_space<hbm>>) target(%arg5 : memref<51200xi32, #tpu.memory_space<vmem>>) target_semaphore(%run_scoped3A : memref<!tpu.dma_semaphore, #tpu.memory_space<semaphore_mem>>)
      %dma_wait3A = tpu.memref_slice %arg2[%mul3A_6] : memref<1638400xi32, #tpu.memory_space<hbm>> -> memref<51200xi32, #tpu.memory_space<hbm>>
      %dma_wait3A_39 = tpu.memref_slice %arg2[%mul3A_6] : memref<1638400xi32, #tpu.memory_space<hbm>> -> memref<51200xi32, #tpu.memory_space<hbm>>
      tpu.wait_dma2 semaphore(%run_scoped3A : memref<!tpu.dma_semaphore, #tpu.memory_space<semaphore_mem>>) src(%dma_wait3A_39 : memref<51200xi32, #tpu.memory_space<hbm>>) dst(%arg5 : memref<51200xi32, #tpu.memory_space<vmem>>)
      tpu.yield
    }) : () -> ()
    %broadcast_in_dim3A = arith.constant 0xFF800000 : f32
    %broadcast_in_dim3A_7 = vector.broadcast %broadcast_in_dim3A : f32 to vector<16xf32>
    %broadcast_in_dim3A_8 = arith.constant 0xFF800000 : f32
    %broadcast_in_dim3A_9 = vector.broadcast %broadcast_in_dim3A_8 : f32 to vector<16xf32>
    %broadcast_in_dim3A_10 = arith.constant 0xFF800000 : f32
    %broadcast_in_dim3A_11 = vector.broadcast %broadcast_in_dim3A_10 : f32 to vector<16xf32>
    %broadcast_in_dim3A_12 = arith.constant 0xFF800000 : f32
    %broadcast_in_dim3A_13 = vector.broadcast %broadcast_in_dim3A_12 : f32 to vector<16xf32>
    %dma_start3A = arith.constant 0 : i32
    %dma_start3A_14 = tpu.memref_slice %arg5[%dma_start3A] : memref<51200xi32, #tpu.memory_space<vmem>> -> memref<96xi32, #tpu.memory_space<vmem>>
    %dma_start3A_15 = arith.constant 0 : i32
    %dma_start3A_16 = arith.constant 0 : i32
    %dma_start3A_17 = tpu.memref_slice %arg3[%dma_start3A_15, %dma_start3A_16] : memref<1000000x128xf32, #tpu.memory_space<hbm>> -> memref<1000000x128xf32, #tpu.memory_space<hbm>>
    tpu.enqueue_indirect_dma source(%dma_start3A_17 : memref<1000000x128xf32, #tpu.memory_space<hbm>>) target(%arg6 : memref<96x128xf32, #tpu.memory_space<vmem>>) offsets(%dma_start3A_14 : memref<96xi32, #tpu.memory_space<vmem>>) semaphore(%arg11 : memref<!tpu.dma_semaphore, #tpu.memory_space<semaphore_mem>>)
    %dma_start3A_18 = arith.constant 96 : i32
    %dma_start3A_19 = tpu.memref_slice %arg5[%dma_start3A_18] : memref<51200xi32, #tpu.memory_space<vmem>> -> memref<104xi32, #tpu.memory_space<vmem>>
    %dma_start3A_20 = arith.constant 0 : i32
    %dma_start3A_21 = arith.constant 0 : i32
    %dma_start3A_22 = tpu.memref_slice %arg3[%dma_start3A_20, %dma_start3A_21] : memref<1000000x128xf32, #tpu.memory_space<hbm>> -> memref<1000000x128xf32, #tpu.memory_space<hbm>>
    tpu.enqueue_indirect_dma source(%dma_start3A_22 : memref<1000000x128xf32, #tpu.memory_space<hbm>>) target(%arg7 : memref<104x128xf32, #tpu.memory_space<vmem>>) offsets(%dma_start3A_19 : memref<104xi32, #tpu.memory_space<vmem>>) semaphore(%arg12 : memref<!tpu.dma_semaphore, #tpu.memory_space<semaphore_mem>>)
    %dma_start3A_23 = arith.constant 200 : i32
    %dma_start3A_24 = tpu.memref_slice %arg5[%dma_start3A_23] : memref<51200xi32, #tpu.memory_space<vmem>> -> memref<96xi32, #tpu.memory_space<vmem>>
    %dma_start3A_25 = arith.constant 0 : i32
    %dma_start3A_26 = arith.constant 0 : i32
    %dma_start3A_27 = tpu.memref_slice %arg3[%dma_start3A_25, %dma_start3A_26] : memref<1000000x128xf32, #tpu.memory_space<hbm>> -> memref<1000000x128xf32, #tpu.memory_space<hbm>>
    tpu.enqueue_indirect_dma source(%dma_start3A_27 : memref<1000000x128xf32, #tpu.memory_space<hbm>>) target(%arg8 : memref<96x128xf32, #tpu.memory_space<vmem>>) offsets(%dma_start3A_24 : memref<96xi32, #tpu.memory_space<vmem>>) semaphore(%arg13 : memref<!tpu.dma_semaphore, #tpu.memory_space<semaphore_mem>>)
    %dma_start3A_28 = arith.constant 296 : i32
    %dma_start3A_29 = tpu.memref_slice %arg5[%dma_start3A_28] : memref<51200xi32, #tpu.memory_space<vmem>> -> memref<104xi32, #tpu.memory_space<vmem>>
    %dma_start3A_30 = arith.constant 0 : i32
    %dma_start3A_31 = arith.constant 0 : i32
    %dma_start3A_32 = tpu.memref_slice %arg3[%dma_start3A_30, %dma_start3A_31] : memref<1000000x128xf32, #tpu.memory_space<hbm>> -> memref<1000000x128xf32, #tpu.memory_space<hbm>>
    tpu.enqueue_indirect_dma source(%dma_start3A_32 : memref<1000000x128xf32, #tpu.memory_space<hbm>>) target(%arg9 : memref<104x128xf32, #tpu.memory_space<vmem>>) offsets(%dma_start3A_29 : memref<104xi32, #tpu.memory_space<vmem>>) semaphore(%arg14 : memref<!tpu.dma_semaphore, #tpu.memory_space<semaphore_mem>>)
    %scan3A = arith.constant 0 : i32
    %scan3A_33 = arith.constant 128 : i32
    %scan3A_34 = arith.addi %scan3A, %scan3A_33 : i32
    %scan3A_35 = arith.constant 1 : i32
    scf.for %scan3A_37 = %scan3A to %scan3A_34 step %scan3A_35  : i32 {
      %dma_wait3A = arith.constant 0 : i32
      %dma_wait3A_38 = arith.constant 0 : i32
      %dma_wait3A_39 = tpu.memref_slice %arg3[%dma_wait3A, %dma_wait3A_38] : memref<1000000x128xf32, #tpu.memory_space<hbm>> -> memref<96x128xf32, #tpu.memory_space<hbm>>
      %dma_wait3A_40 = arith.constant 0 : i32
      %dma_wait3A_41 = arith.constant 0 : i32
      %dma_wait3A_42 = tpu.memref_slice %arg3[%dma_wait3A_40, %dma_wait3A_41] : memref<1000000x128xf32, #tpu.memory_space<hbm>> -> memref<96x128xf32, #tpu.memory_space<hbm>>
      tpu.wait_dma2 semaphore(%arg11 : memref<!tpu.dma_semaphore, #tpu.memory_space<semaphore_mem>>) src(%dma_wait3A_42 : memref<96x128xf32, #tpu.memory_space<hbm>>) dst(%arg6 : memref<96x128xf32, #tpu.memory_space<vmem>>)
      %scan3A_43 = arith.constant 0 : i32
      %scan3A_44 = arith.constant 96 : i32
      %scan3A_45 = arith.addi %scan3A_43, %scan3A_44 : i32
      %scan3A_46 = arith.constant 2 : i32
      %scan3A_47:4 = scf.for %scan3A_141 = %scan3A_43 to %scan3A_45 step %scan3A_46 iter_args(%scan3A_142 = %broadcast_in_dim3A_7, %scan3A_143 = %broadcast_in_dim3A_9, %scan3A_144 = %broadcast_in_dim3A_11, %scan3A_145 = %broadcast_in_dim3A_13) -> (vector<16xf32>, vector<16xf32>, vector<16xf32>, vector<16xf32>)  : i32 {
        %get3A = arith.index_cast %scan3A_141 : i32 to index
        %get3A_146 = arith.constant 0 : index
        %get3A_147 = tpu.vector_load %arg6[%get3A, %get3A_146] {strides = array<i32>} : memref<96x128xf32, #tpu.memory_space<vmem>>, vector<1x16xf32>,
        %get3A_148 = vector.shape_cast %get3A_147 : vector<1x16xf32> to vector<16xf32>
        %max3A = arith.maximumf %scan3A_142, %get3A_148 : vector<16xf32>
        %get3A_149 = arith.index_cast %scan3A_141 : i32 to index
        %get3A_150 = arith.constant 16 : index
        %get3A_151 = tpu.vector_load %arg6[%get3A_149, %get3A_150] {strides = array<i32>} : memref<96x128xf32, #tpu.memory_space<vmem>>, vector<1x16xf32>,
        %get3A_152 = vector.shape_cast %get3A_151 : vector<1x16xf32> to vector<16xf32>
        %max3A_153 = arith.maximumf %scan3A_143, %get3A_152 : vector<16xf32>
        %get3A_154 = arith.index_cast %scan3A_141 : i32 to index
        %get3A_155 = arith.constant 32 : index
        %get3A_156 = tpu.vector_load %arg6[%get3A_154, %get3A_155] {strides = array<i32>} : memref<96x128xf32, #tpu.memory_space<vmem>>, vector<1x16xf32>,
        %get3A_157 = vector.shape_cast %get3A_156 : vector<1x16xf32> to vector<16xf32>
        %max3A_158 = arith.maximumf %scan3A_144, %get3A_157 : vector<16xf32>
        %get3A_159 = arith.index_cast %scan3A_141 : i32 to index
        %get3A_160 = arith.constant 48 : index
        %get3A_161 = tpu.vector_load %arg6[%get3A_159, %get3A_160] {strides = array<i32>} : memref<96x128xf32, #tpu.memory_space<vmem>>, vector<1x16xf32>,
        %get3A_162 = vector.shape_cast %get3A_161 : vector<1x16xf32> to vector<16xf32>
        %max3A_163 = arith.maximumf %scan3A_145, %get3A_162 : vector<16xf32>
        %scan3A_164 = arith.constant 1 : i32
        %scan3A_165 = arith.addi %scan3A_141, %scan3A_164 : i32
        %get3A_166 = arith.index_cast %scan3A_165 : i32 to index
        %get3A_167 = arith.constant 0 : index
        %get3A_168 = tpu.vector_load %arg6[%get3A_166, %get3A_167] {strides = array<i32>} : memref<96x128xf32, #tpu.memory_space<vmem>>, vector<1x16xf32>,
        %get3A_169 = vector.shape_cast %get3A_168 : vector<1x16xf32> to vector<16xf32>
        %max3A_170 = arith.maximumf %max3A, %get3A_169 : vector<16xf32>
        %get3A_171 = arith.index_cast %scan3A_165 : i32 to index
        %get3A_172 = arith.constant 16 : index
        %get3A_173 = tpu.vector_load %arg6[%get3A_171, %get3A_172] {strides = array<i32>} : memref<96x128xf32, #tpu.memory_space<vmem>>, vector<1x16xf32>,
        %get3A_174 = vector.shape_cast %get3A_173 : vector<1x16xf32> to vector<16xf32>
        %max3A_175 = arith.maximumf %max3A_153, %get3A_174 : vector<16xf32>
        %get3A_176 = arith.index_cast %scan3A_165 : i32 to index
        %get3A_177 = arith.constant 32 : index
        %get3A_178 = tpu.vector_load %arg6[%get3A_176, %get3A_177] {strides = array<i32>} : memref<96x128xf32, #tpu.memory_space<vmem>>, vector<1x16xf32>,
        %get3A_179 = vector.shape_cast %get3A_178 : vector<1x16xf32> to vector<16xf32>
        %max3A_180 = arith.maximumf %max3A_158, %get3A_179 : vector<16xf32>
        %get3A_181 = arith.index_cast %scan3A_165 : i32 to index
        %get3A_182 = arith.constant 48 : index
        %get3A_183 = tpu.vector_load %arg6[%get3A_181, %get3A_182] {strides = array<i32>} : memref<96x128xf32, #tpu.memory_space<vmem>>, vector<1x16xf32>,
        %get3A_184 = vector.shape_cast %get3A_183 : vector<1x16xf32> to vector<16xf32>
        %max3A_185 = arith.maximumf %max3A_163, %get3A_184 : vector<16xf32>
        scf.yield %max3A_170, %max3A_175, %max3A_180, %max3A_185 : vector<16xf32>, vector<16xf32>, vector<16xf32>, vector<16xf32>
      }
      %scan3A_48 = arith.constant 96 : i32
      %lt3A = arith.constant 127 : i32
      %lt3A_49 = arith.cmpi slt, %scan3A_37, %lt3A : i32
      %convert_element_type3A = arith.extui %lt3A_49 : i1 to i32
      %cond3A = arith.constant 0 : i32
      %cond3A_50 = arith.cmpi ne, %convert_element_type3A, %cond3A : i32
      scf.if %cond3A_50 {
        %add3A_141 = arith.constant 1 : i32
        %add3A_142 = arith.addi %scan3A_37, %add3A_141 : i32
        %mul3A_143 = arith.constant 2 : i32
        %mul3A_144 = arith.muli %add3A_142, %mul3A_143 : i32
        %mul3A_145 = arith.constant 200 : i32
        %mul3A_146 = arith.muli %mul3A_144, %mul3A_145 : i32
        %add3A_147 = arith.constant 0 : i32
        %add3A_148 = arith.addi %mul3A_146, %add3A_147 : i32
        %dma_start3A_149 = tpu.memref_slice %arg5[%add3A_148] : memref<51200xi32, #tpu.memory_space<vmem>> -> memref<96xi32, #tpu.memory_space<vmem>>
        %dma_start3A_150 = arith.constant 0 : i32
        %dma_start3A_151 = arith.constant 0 : i32
        %dma_start3A_152 = tpu.memref_slice %arg3[%dma_start3A_150, %dma_start3A_151] : memref<1000000x128xf32, #tpu.memory_space<hbm>> -> memref<1000000x128xf32, #tpu.memory_space<hbm>>
        tpu.enqueue_indirect_dma source(%dma_start3A_152 : memref<1000000x128xf32, #tpu.memory_space<hbm>>) target(%arg6 : memref<96x128xf32, #tpu.memory_space<vmem>>) offsets(%dma_start3A_149 : memref<96xi32, #tpu.memory_space<vmem>>) semaphore(%arg11 : memref<!tpu.dma_semaphore, #tpu.memory_space<semaphore_mem>>)
      } else {
      }
      %dma_wait3A_51 = arith.constant 0 : i32
      %dma_wait3A_52 = arith.constant 0 : i32
      %dma_wait3A_53 = tpu.memref_slice %arg3[%dma_wait3A_51, %dma_wait3A_52] : memref<1000000x128xf32, #tpu.memory_space<hbm>> -> memref<104x128xf32, #tpu.memory_space<hbm>>
      %dma_wait3A_54 = arith.constant 0 : i32
      %dma_wait3A_55 = arith.constant 0 : i32
      %dma_wait3A_56 = tpu.memref_slice %arg3[%dma_wait3A_54, %dma_wait3A_55] : memref<1000000x128xf32, #tpu.memory_space<hbm>> -> memref<104x128xf32, #tpu.memory_space<hbm>>
      tpu.wait_dma2 semaphore(%arg12 : memref<!tpu.dma_semaphore, #tpu.memory_space<semaphore_mem>>) src(%dma_wait3A_56 : memref<104x128xf32, #tpu.memory_space<hbm>>) dst(%arg7 : memref<104x128xf32, #tpu.memory_space<vmem>>)
      %scan3A_57 = arith.constant 0 : i32
      %scan3A_58 = arith.constant 104 : i32
      %scan3A_59 = arith.addi %scan3A_57, %scan3A_58 : i32
      %scan3A_60 = arith.constant 2 : i32
      %scan3A_61:4 = scf.for %scan3A_141 = %scan3A_57 to %scan3A_59 step %scan3A_60 iter_args(%scan3A_142 = %scan3A_47#0, %scan3A_143 = %scan3A_47#1, %scan3A_144 = %scan3A_47#2, %scan3A_145 = %scan3A_47#3) -> (vector<16xf32>, vector<16xf32>, vector<16xf32>, vector<16xf32>)  : i32 {
        %get3A = arith.index_cast %scan3A_141 : i32 to index
        %get3A_146 = arith.constant 0 : index
        %get3A_147 = tpu.vector_load %arg7[%get3A, %get3A_146] {strides = array<i32>} : memref<104x128xf32, #tpu.memory_space<vmem>>, vector<1x16xf32>,
        %get3A_148 = vector.shape_cast %get3A_147 : vector<1x16xf32> to vector<16xf32>
        %max3A = arith.maximumf %scan3A_142, %get3A_148 : vector<16xf32>
        %get3A_149 = arith.index_cast %scan3A_141 : i32 to index
        %get3A_150 = arith.constant 16 : index
        %get3A_151 = tpu.vector_load %arg7[%get3A_149, %get3A_150] {strides = array<i32>} : memref<104x128xf32, #tpu.memory_space<vmem>>, vector<1x16xf32>,
        %get3A_152 = vector.shape_cast %get3A_151 : vector<1x16xf32> to vector<16xf32>
        %max3A_153 = arith.maximumf %scan3A_143, %get3A_152 : vector<16xf32>
        %get3A_154 = arith.index_cast %scan3A_141 : i32 to index
        %get3A_155 = arith.constant 32 : index
        %get3A_156 = tpu.vector_load %arg7[%get3A_154, %get3A_155] {strides = array<i32>} : memref<104x128xf32, #tpu.memory_space<vmem>>, vector<1x16xf32>,
        %get3A_157 = vector.shape_cast %get3A_156 : vector<1x16xf32> to vector<16xf32>
        %max3A_158 = arith.maximumf %scan3A_144, %get3A_157 : vector<16xf32>
        %get3A_159 = arith.index_cast %scan3A_141 : i32 to index
        %get3A_160 = arith.constant 48 : index
        %get3A_161 = tpu.vector_load %arg7[%get3A_159, %get3A_160] {strides = array<i32>} : memref<104x128xf32, #tpu.memory_space<vmem>>, vector<1x16xf32>,
        %get3A_162 = vector.shape_cast %get3A_161 : vector<1x16xf32> to vector<16xf32>
        %max3A_163 = arith.maximumf %scan3A_145, %get3A_162 : vector<16xf32>
        %scan3A_164 = arith.constant 1 : i32
        %scan3A_165 = arith.addi %scan3A_141, %scan3A_164 : i32
        %get3A_166 = arith.index_cast %scan3A_165 : i32 to index
        %get3A_167 = arith.constant 0 : index
        %get3A_168 = tpu.vector_load %arg7[%get3A_166, %get3A_167] {strides = array<i32>} : memref<104x128xf32, #tpu.memory_space<vmem>>, vector<1x16xf32>,
        %get3A_169 = vector.shape_cast %get3A_168 : vector<1x16xf32> to vector<16xf32>
        %max3A_170 = arith.maximumf %max3A, %get3A_169 : vector<16xf32>
        %get3A_171 = arith.index_cast %scan3A_165 : i32 to index
        %get3A_172 = arith.constant 16 : index
        %get3A_173 = tpu.vector_load %arg7[%get3A_171, %get3A_172] {strides = array<i32>} : memref<104x128xf32, #tpu.memory_space<vmem>>, vector<1x16xf32>,
        %get3A_174 = vector.shape_cast %get3A_173 : vector<1x16xf32> to vector<16xf32>
        %max3A_175 = arith.maximumf %max3A_153, %get3A_174 : vector<16xf32>
        %get3A_176 = arith.index_cast %scan3A_165 : i32 to index
        %get3A_177 = arith.constant 32 : index
        %get3A_178 = tpu.vector_load %arg7[%get3A_176, %get3A_177] {strides = array<i32>} : memref<104x128xf32, #tpu.memory_space<vmem>>, vector<1x16xf32>,
        %get3A_179 = vector.shape_cast %get3A_178 : vector<1x16xf32> to vector<16xf32>
        %max3A_180 = arith.maximumf %max3A_158, %get3A_179 : vector<16xf32>
        %get3A_181 = arith.index_cast %scan3A_165 : i32 to index
        %get3A_182 = arith.constant 48 : index
        %get3A_183 = tpu.vector_load %arg7[%get3A_181, %get3A_182] {strides = array<i32>} : memref<104x128xf32, #tpu.memory_space<vmem>>, vector<1x16xf32>,
        %get3A_184 = vector.shape_cast %get3A_183 : vector<1x16xf32> to vector<16xf32>
        %max3A_185 = arith.maximumf %max3A_163, %get3A_184 : vector<16xf32>
        scf.yield %max3A_170, %max3A_175, %max3A_180, %max3A_185 : vector<16xf32>, vector<16xf32>, vector<16xf32>, vector<16xf32>
      }
      %scan3A_62 = arith.constant 104 : i32
      %lt3A_63 = arith.constant 127 : i32
      %lt3A_64 = arith.cmpi slt, %scan3A_37, %lt3A_63 : i32
      %convert_element_type3A_65 = arith.extui %lt3A_64 : i1 to i32
      %cond3A_66 = arith.constant 0 : i32
      %cond3A_67 = arith.cmpi ne, %convert_element_type3A_65, %cond3A_66 : i32
      scf.if %cond3A_67 {
        %add3A_141 = arith.constant 1 : i32
        %add3A_142 = arith.addi %scan3A_37, %add3A_141 : i32
        %mul3A_143 = arith.constant 2 : i32
        %mul3A_144 = arith.muli %add3A_142, %mul3A_143 : i32
        %mul3A_145 = arith.constant 200 : i32
        %mul3A_146 = arith.muli %mul3A_144, %mul3A_145 : i32
        %add3A_147 = arith.constant 96 : i32
        %add3A_148 = arith.addi %mul3A_146, %add3A_147 : i32
        %dma_start3A_149 = tpu.memref_slice %arg5[%add3A_148] : memref<51200xi32, #tpu.memory_space<vmem>> -> memref<104xi32, #tpu.memory_space<vmem>>
        %dma_start3A_150 = arith.constant 0 : i32
        %dma_start3A_151 = arith.constant 0 : i32
        %dma_start3A_152 = tpu.memref_slice %arg3[%dma_start3A_150, %dma_start3A_151] : memref<1000000x128xf32, #tpu.memory_space<hbm>> -> memref<1000000x128xf32, #tpu.memory_space<hbm>>
        tpu.enqueue_indirect_dma source(%dma_start3A_152 : memref<1000000x128xf32, #tpu.memory_space<hbm>>) target(%arg7 : memref<104x128xf32, #tpu.memory_space<vmem>>) offsets(%dma_start3A_149 : memref<104xi32, #tpu.memory_space<vmem>>) semaphore(%arg12 : memref<!tpu.dma_semaphore, #tpu.memory_space<semaphore_mem>>)
      } else {
      }
      %dma_wait3A_68 = arith.constant 0 : i32
      %dma_wait3A_69 = arith.constant 0 : i32
      %dma_wait3A_70 = tpu.memref_slice %arg3[%dma_wait3A_68, %dma_wait3A_69] : memref<1000000x128xf32, #tpu.memory_space<hbm>> -> memref<96x128xf32, #tpu.memory_space<hbm>>
      %dma_wait3A_71 = arith.constant 0 : i32
      %dma_wait3A_72 = arith.constant 0 : i32
      %dma_wait3A_73 = tpu.memref_slice %arg3[%dma_wait3A_71, %dma_wait3A_72] : memref<1000000x128xf32, #tpu.memory_space<hbm>> -> memref<96x128xf32, #tpu.memory_space<hbm>>
      tpu.wait_dma2 semaphore(%arg13 : memref<!tpu.dma_semaphore, #tpu.memory_space<semaphore_mem>>) src(%dma_wait3A_73 : memref<96x128xf32, #tpu.memory_space<hbm>>) dst(%arg8 : memref<96x128xf32, #tpu.memory_space<vmem>>)
      %scan3A_74 = arith.constant 0 : i32
      %scan3A_75 = arith.constant 96 : i32
      %scan3A_76 = arith.addi %scan3A_74, %scan3A_75 : i32
      %scan3A_77 = arith.constant 2 : i32
      %scan3A_78:4 = scf.for %scan3A_141 = %scan3A_74 to %scan3A_76 step %scan3A_77 iter_args(%scan3A_142 = %broadcast_in_dim3A_7, %scan3A_143 = %broadcast_in_dim3A_9, %scan3A_144 = %broadcast_in_dim3A_11, %scan3A_145 = %broadcast_in_dim3A_13) -> (vector<16xf32>, vector<16xf32>, vector<16xf32>, vector<16xf32>)  : i32 {
        %get3A = arith.index_cast %scan3A_141 : i32 to index
        %get3A_146 = arith.constant 0 : index
        %get3A_147 = tpu.vector_load %arg8[%get3A, %get3A_146] {strides = array<i32>} : memref<96x128xf32, #tpu.memory_space<vmem>>, vector<1x16xf32>,
        %get3A_148 = vector.shape_cast %get3A_147 : vector<1x16xf32> to vector<16xf32>
        %max3A = arith.maximumf %scan3A_142, %get3A_148 : vector<16xf32>
        %get3A_149 = arith.index_cast %scan3A_141 : i32 to index
        %get3A_150 = arith.constant 16 : index
        %get3A_151 = tpu.vector_load %arg8[%get3A_149, %get3A_150] {strides = array<i32>} : memref<96x128xf32, #tpu.memory_space<vmem>>, vector<1x16xf32>,
        %get3A_152 = vector.shape_cast %get3A_151 : vector<1x16xf32> to vector<16xf32>
        %max3A_153 = arith.maximumf %scan3A_143, %get3A_152 : vector<16xf32>
        %get3A_154 = arith.index_cast %scan3A_141 : i32 to index
        %get3A_155 = arith.constant 32 : index
        %get3A_156 = tpu.vector_load %arg8[%get3A_154, %get3A_155] {strides = array<i32>} : memref<96x128xf32, #tpu.memory_space<vmem>>, vector<1x16xf32>,
        %get3A_157 = vector.shape_cast %get3A_156 : vector<1x16xf32> to vector<16xf32>
        %max3A_158 = arith.maximumf %scan3A_144, %get3A_157 : vector<16xf32>
        %get3A_159 = arith.index_cast %scan3A_141 : i32 to index
        %get3A_160 = arith.constant 48 : index
        %get3A_161 = tpu.vector_load %arg8[%get3A_159, %get3A_160] {strides = array<i32>} : memref<96x128xf32, #tpu.memory_space<vmem>>, vector<1x16xf32>,
        %get3A_162 = vector.shape_cast %get3A_161 : vector<1x16xf32> to vector<16xf32>
        %max3A_163 = arith.maximumf %scan3A_145, %get3A_162 : vector<16xf32>
        %scan3A_164 = arith.constant 1 : i32
        %scan3A_165 = arith.addi %scan3A_141, %scan3A_164 : i32
        %get3A_166 = arith.index_cast %scan3A_165 : i32 to index
        %get3A_167 = arith.constant 0 : index
        %get3A_168 = tpu.vector_load %arg8[%get3A_166, %get3A_167] {strides = array<i32>} : memref<96x128xf32, #tpu.memory_space<vmem>>, vector<1x16xf32>,
        %get3A_169 = vector.shape_cast %get3A_168 : vector<1x16xf32> to vector<16xf32>
        %max3A_170 = arith.maximumf %max3A, %get3A_169 : vector<16xf32>
        %get3A_171 = arith.index_cast %scan3A_165 : i32 to index
        %get3A_172 = arith.constant 16 : index
        %get3A_173 = tpu.vector_load %arg8[%get3A_171, %get3A_172] {strides = array<i32>} : memref<96x128xf32, #tpu.memory_space<vmem>>, vector<1x16xf32>,
        %get3A_174 = vector.shape_cast %get3A_173 : vector<1x16xf32> to vector<16xf32>
        %max3A_175 = arith.maximumf %max3A_153, %get3A_174 : vector<16xf32>
        %get3A_176 = arith.index_cast %scan3A_165 : i32 to index
        %get3A_177 = arith.constant 32 : index
        %get3A_178 = tpu.vector_load %arg8[%get3A_176, %get3A_177] {strides = array<i32>} : memref<96x128xf32, #tpu.memory_space<vmem>>, vector<1x16xf32>,
        %get3A_179 = vector.shape_cast %get3A_178 : vector<1x16xf32> to vector<16xf32>
        %max3A_180 = arith.maximumf %max3A_158, %get3A_179 : vector<16xf32>
        %get3A_181 = arith.index_cast %scan3A_165 : i32 to index
        %get3A_182 = arith.constant 48 : index
        %get3A_183 = tpu.vector_load %arg8[%get3A_181, %get3A_182] {strides = array<i32>} : memref<96x128xf32, #tpu.memory_space<vmem>>, vector<1x16xf32>,
        %get3A_184 = vector.shape_cast %get3A_183 : vector<1x16xf32> to vector<16xf32>
        %max3A_185 = arith.maximumf %max3A_163, %get3A_184 : vector<16xf32>
        scf.yield %max3A_170, %max3A_175, %max3A_180, %max3A_185 : vector<16xf32>, vector<16xf32>, vector<16xf32>, vector<16xf32>
      }
      %scan3A_79 = arith.constant 96 : i32
      %lt3A_80 = arith.constant 127 : i32
      %lt3A_81 = arith.cmpi slt, %scan3A_37, %lt3A_80 : i32
      %convert_element_type3A_82 = arith.extui %lt3A_81 : i1 to i32
      %cond3A_83 = arith.constant 0 : i32
      %cond3A_84 = arith.cmpi ne, %convert_element_type3A_82, %cond3A_83 : i32
      scf.if %cond3A_84 {
        %add3A_141 = arith.constant 1 : i32
        %add3A_142 = arith.addi %scan3A_37, %add3A_141 : i32
        %mul3A_143 = arith.constant 2 : i32
        %mul3A_144 = arith.muli %add3A_142, %mul3A_143 : i32
        %mul3A_145 = arith.constant 200 : i32
        %mul3A_146 = arith.muli %mul3A_144, %mul3A_145 : i32
        %add3A_147 = arith.constant 200 : i32
        %add3A_148 = arith.addi %mul3A_146, %add3A_147 : i32
        %dma_start3A_149 = tpu.memref_slice %arg5[%add3A_148] : memref<51200xi32, #tpu.memory_space<vmem>> -> memref<96xi32, #tpu.memory_space<vmem>>
        %dma_start3A_150 = arith.constant 0 : i32
        %dma_start3A_151 = arith.constant 0 : i32
        %dma_start3A_152 = tpu.memref_slice %arg3[%dma_start3A_150, %dma_start3A_151] : memref<1000000x128xf32, #tpu.memory_space<hbm>> -> memref<1000000x128xf32, #tpu.memory_space<hbm>>
        tpu.enqueue_indirect_dma source(%dma_start3A_152 : memref<1000000x128xf32, #tpu.memory_space<hbm>>) target(%arg8 : memref<96x128xf32, #tpu.memory_space<vmem>>) offsets(%dma_start3A_149 : memref<96xi32, #tpu.memory_space<vmem>>) semaphore(%arg13 : memref<!tpu.dma_semaphore, #tpu.memory_space<semaphore_mem>>)
      } else {
      }
      %dma_wait3A_85 = arith.constant 0 : i32
      %dma_wait3A_86 = arith.constant 0 : i32
      %dma_wait3A_87 = tpu.memref_slice %arg3[%dma_wait3A_85, %dma_wait3A_86] : memref<1000000x128xf32, #tpu.memory_space<hbm>> -> memref<104x128xf32, #tpu.memory_space<hbm>>
      %dma_wait3A_88 = arith.constant 0 : i32
      %dma_wait3A_89 = arith.constant 0 : i32
      %dma_wait3A_90 = tpu.memref_slice %arg3[%dma_wait3A_88, %dma_wait3A_89] : memref<1000000x128xf32, #tpu.memory_space<hbm>> -> memref<104x128xf32, #tpu.memory_space<hbm>>
      tpu.wait_dma2 semaphore(%arg14 : memref<!tpu.dma_semaphore, #tpu.memory_space<semaphore_mem>>) src(%dma_wait3A_90 : memref<104x128xf32, #tpu.memory_space<hbm>>) dst(%arg9 : memref<104x128xf32, #tpu.memory_space<vmem>>)
      %scan3A_91 = arith.constant 0 : i32
      %scan3A_92 = arith.constant 104 : i32
      %scan3A_93 = arith.addi %scan3A_91, %scan3A_92 : i32
      %scan3A_94 = arith.constant 2 : i32
      %scan3A_95:4 = scf.for %scan3A_141 = %scan3A_91 to %scan3A_93 step %scan3A_94 iter_args(%scan3A_142 = %scan3A_78#0, %scan3A_143 = %scan3A_78#1, %scan3A_144 = %scan3A_78#2, %scan3A_145 = %scan3A_78#3) -> (vector<16xf32>, vector<16xf32>, vector<16xf32>, vector<16xf32>)  : i32 {
        %get3A = arith.index_cast %scan3A_141 : i32 to index
        %get3A_146 = arith.constant 0 : index
        %get3A_147 = tpu.vector_load %arg9[%get3A, %get3A_146] {strides = array<i32>} : memref<104x128xf32, #tpu.memory_space<vmem>>, vector<1x16xf32>,
        %get3A_148 = vector.shape_cast %get3A_147 : vector<1x16xf32> to vector<16xf32>
        %max3A = arith.maximumf %scan3A_142, %get3A_148 : vector<16xf32>
        %get3A_149 = arith.index_cast %scan3A_141 : i32 to index
        %get3A_150 = arith.constant 16 : index
        %get3A_151 = tpu.vector_load %arg9[%get3A_149, %get3A_150] {strides = array<i32>} : memref<104x128xf32, #tpu.memory_space<vmem>>, vector<1x16xf32>,
        %get3A_152 = vector.shape_cast %get3A_151 : vector<1x16xf32> to vector<16xf32>
        %max3A_153 = arith.maximumf %scan3A_143, %get3A_152 : vector<16xf32>
        %get3A_154 = arith.index_cast %scan3A_141 : i32 to index
        %get3A_155 = arith.constant 32 : index
        %get3A_156 = tpu.vector_load %arg9[%get3A_154, %get3A_155] {strides = array<i32>} : memref<104x128xf32, #tpu.memory_space<vmem>>, vector<1x16xf32>,
        %get3A_157 = vector.shape_cast %get3A_156 : vector<1x16xf32> to vector<16xf32>
        %max3A_158 = arith.maximumf %scan3A_144, %get3A_157 : vector<16xf32>
        %get3A_159 = arith.index_cast %scan3A_141 : i32 to index
        %get3A_160 = arith.constant 48 : index
        %get3A_161 = tpu.vector_load %arg9[%get3A_159, %get3A_160] {strides = array<i32>} : memref<104x128xf32, #tpu.memory_space<vmem>>, vector<1x16xf32>,
        %get3A_162 = vector.shape_cast %get3A_161 : vector<1x16xf32> to vector<16xf32>
        %max3A_163 = arith.maximumf %scan3A_145, %get3A_162 : vector<16xf32>
        %scan3A_164 = arith.constant 1 : i32
        %scan3A_165 = arith.addi %scan3A_141, %scan3A_164 : i32
        %get3A_166 = arith.index_cast %scan3A_165 : i32 to index
        %get3A_167 = arith.constant 0 : index
        %get3A_168 = tpu.vector_load %arg9[%get3A_166, %get3A_167] {strides = array<i32>} : memref<104x128xf32, #tpu.memory_space<vmem>>, vector<1x16xf32>,
        %get3A_169 = vector.shape_cast %get3A_168 : vector<1x16xf32> to vector<16xf32>
        %max3A_170 = arith.maximumf %max3A, %get3A_169 : vector<16xf32>
        %get3A_171 = arith.index_cast %scan3A_165 : i32 to index
        %get3A_172 = arith.constant 16 : index
        %get3A_173 = tpu.vector_load %arg9[%get3A_171, %get3A_172] {strides = array<i32>} : memref<104x128xf32, #tpu.memory_space<vmem>>, vector<1x16xf32>,
        %get3A_174 = vector.shape_cast %get3A_173 : vector<1x16xf32> to vector<16xf32>
        %max3A_175 = arith.maximumf %max3A_153, %get3A_174 : vector<16xf32>
        %get3A_176 = arith.index_cast %scan3A_165 : i32 to index
        %get3A_177 = arith.constant 32 : index
        %get3A_178 = tpu.vector_load %arg9[%get3A_176, %get3A_177] {strides = array<i32>} : memref<104x128xf32, #tpu.memory_space<vmem>>, vector<1x16xf32>,
        %get3A_179 = vector.shape_cast %get3A_178 : vector<1x16xf32> to vector<16xf32>
        %max3A_180 = arith.maximumf %max3A_158, %get3A_179 : vector<16xf32>
        %get3A_181 = arith.index_cast %scan3A_165 : i32 to index
        %get3A_182 = arith.constant 48 : index
        %get3A_183 = tpu.vector_load %arg9[%get3A_181, %get3A_182] {strides = array<i32>} : memref<104x128xf32, #tpu.memory_space<vmem>>, vector<1x16xf32>,
        %get3A_184 = vector.shape_cast %get3A_183 : vector<1x16xf32> to vector<16xf32>
        %max3A_185 = arith.maximumf %max3A_163, %get3A_184 : vector<16xf32>
        scf.yield %max3A_170, %max3A_175, %max3A_180, %max3A_185 : vector<16xf32>, vector<16xf32>, vector<16xf32>, vector<16xf32>
      }
      %scan3A_96 = arith.constant 104 : i32
      %lt3A_97 = arith.constant 127 : i32
      %lt3A_98 = arith.cmpi slt, %scan3A_37, %lt3A_97 : i32
      %convert_element_type3A_99 = arith.extui %lt3A_98 : i1 to i32
      %cond3A_100 = arith.constant 0 : i32
      %cond3A_101 = arith.cmpi ne, %convert_element_type3A_99, %cond3A_100 : i32
      scf.if %cond3A_101 {
        %add3A_141 = arith.constant 1 : i32
        %add3A_142 = arith.addi %scan3A_37, %add3A_141 : i32
        %mul3A_143 = arith.constant 2 : i32
        %mul3A_144 = arith.muli %add3A_142, %mul3A_143 : i32
        %mul3A_145 = arith.constant 200 : i32
        %mul3A_146 = arith.muli %mul3A_144, %mul3A_145 : i32
        %add3A_147 = arith.constant 296 : i32
        %add3A_148 = arith.addi %mul3A_146, %add3A_147 : i32
        %dma_start3A_149 = tpu.memref_slice %arg5[%add3A_148] : memref<51200xi32, #tpu.memory_space<vmem>> -> memref<104xi32, #tpu.memory_space<vmem>>
        %dma_start3A_150 = arith.constant 0 : i32
        %dma_start3A_151 = arith.constant 0 : i32
        %dma_start3A_152 = tpu.memref_slice %arg3[%dma_start3A_150, %dma_start3A_151] : memref<1000000x128xf32, #tpu.memory_space<hbm>> -> memref<1000000x128xf32, #tpu.memory_space<hbm>>
        tpu.enqueue_indirect_dma source(%dma_start3A_152 : memref<1000000x128xf32, #tpu.memory_space<hbm>>) target(%arg9 : memref<104x128xf32, #tpu.memory_space<vmem>>) offsets(%dma_start3A_149 : memref<104xi32, #tpu.memory_space<vmem>>) semaphore(%arg14 : memref<!tpu.dma_semaphore, #tpu.memory_space<semaphore_mem>>)
      } else {
      }
      %swap3A = arith.index_cast %scan3A_37 : i32 to index
      %swap3A_102 = arith.constant 0 : index
      %swap3A_103 = tpu.vector_load %arg10[%swap3A, %swap3A_102] {strides = array<i32>} : memref<128x128xf32, #tpu.memory_space<vmem>>, vector<1x16xf32>,
      %swap3A_104 = vector.shape_cast %swap3A_103 : vector<1x16xf32> to vector<16xf32>
      %swap3A_105 = vector.shape_cast %scan3A_61#0 : vector<16xf32> to vector<1x16xf32>
      tpu.vector_store %arg10[%swap3A, %swap3A_102], %swap3A_105 {strides = array<i32>} : memref<128x128xf32, #tpu.memory_space<vmem>>, vector<1x16xf32>,
      %swap3A_106 = arith.index_cast %scan3A_37 : i32 to index
      %swap3A_107 = arith.constant 64 : index
      %swap3A_108 = tpu.vector_load %arg10[%swap3A_106, %swap3A_107] {strides = array<i32>} : memref<128x128xf32, #tpu.memory_space<vmem>>, vector<1x16xf32>,
      %swap3A_109 = vector.shape_cast %swap3A_108 : vector<1x16xf32> to vector<16xf32>
      %swap3A_110 = vector.shape_cast %scan3A_95#0 : vector<16xf32> to vector<1x16xf32>
      tpu.vector_store %arg10[%swap3A_106, %swap3A_107], %swap3A_110 {strides = array<i32>} : memref<128x128xf32, #tpu.memory_space<vmem>>, vector<1x16xf32>,
      %swap3A_111 = arith.index_cast %scan3A_37 : i32 to index
      %swap3A_112 = arith.constant 16 : index
      %swap3A_113 = tpu.vector_load %arg10[%swap3A_111, %swap3A_112] {strides = array<i32>} : memref<128x128xf32, #tpu.memory_space<vmem>>, vector<1x16xf32>,
      %swap3A_114 = vector.shape_cast %swap3A_113 : vector<1x16xf32> to vector<16xf32>
      %swap3A_115 = vector.shape_cast %scan3A_61#1 : vector<16xf32> to vector<1x16xf32>
      tpu.vector_store %arg10[%swap3A_111, %swap3A_112], %swap3A_115 {strides = array<i32>} : memref<128x128xf32, #tpu.memory_space<vmem>>, vector<1x16xf32>,
      %swap3A_116 = arith.index_cast %scan3A_37 : i32 to index
      %swap3A_117 = arith.constant 80 : index
      %swap3A_118 = tpu.vector_load %arg10[%swap3A_116, %swap3A_117] {strides = array<i32>} : memref<128x128xf32, #tpu.memory_space<vmem>>, vector<1x16xf32>,
      %swap3A_119 = vector.shape_cast %swap3A_118 : vector<1x16xf32> to vector<16xf32>
      %swap3A_120 = vector.shape_cast %scan3A_95#1 : vector<16xf32> to vector<1x16xf32>
      tpu.vector_store %arg10[%swap3A_116, %swap3A_117], %swap3A_120 {strides = array<i32>} : memref<128x128xf32, #tpu.memory_space<vmem>>, vector<1x16xf32>,
      %swap3A_121 = arith.index_cast %scan3A_37 : i32 to index
      %swap3A_122 = arith.constant 32 : index
      %swap3A_123 = tpu.vector_load %arg10[%swap3A_121, %swap3A_122] {strides = array<i32>} : memref<128x128xf32, #tpu.memory_space<vmem>>, vector<1x16xf32>,
      %swap3A_124 = vector.shape_cast %swap3A_123 : vector<1x16xf32> to vector<16xf32>
      %swap3A_125 = vector.shape_cast %scan3A_61#2 : vector<16xf32> to vector<1x16xf32>
      tpu.vector_store %arg10[%swap3A_121, %swap3A_122], %swap3A_125 {strides = array<i32>} : memref<128x128xf32, #tpu.memory_space<vmem>>, vector<1x16xf32>,
      %swap3A_126 = arith.index_cast %scan3A_37 : i32 to index
      %swap3A_127 = arith.constant 96 : index
      %swap3A_128 = tpu.vector_load %arg10[%swap3A_126, %swap3A_127] {strides = array<i32>} : memref<128x128xf32, #tpu.memory_space<vmem>>, vector<1x16xf32>,
      %swap3A_129 = vector.shape_cast %swap3A_128 : vector<1x16xf32> to vector<16xf32>
      %swap3A_130 = vector.shape_cast %scan3A_95#2 : vector<16xf32> to vector<1x16xf32>
      tpu.vector_store %arg10[%swap3A_126, %swap3A_127], %swap3A_130 {strides = array<i32>} : memref<128x128xf32, #tpu.memory_space<vmem>>, vector<1x16xf32>,
      %swap3A_131 = arith.index_cast %scan3A_37 : i32 to index
      %swap3A_132 = arith.constant 48 : index
      %swap3A_133 = tpu.vector_load %arg10[%swap3A_131, %swap3A_132] {strides = array<i32>} : memref<128x128xf32, #tpu.memory_space<vmem>>, vector<1x16xf32>,
      %swap3A_134 = vector.shape_cast %swap3A_133 : vector<1x16xf32> to vector<16xf32>
      %swap3A_135 = vector.shape_cast %scan3A_61#3 : vector<16xf32> to vector<1x16xf32>
      tpu.vector_store %arg10[%swap3A_131, %swap3A_132], %swap3A_135 {strides = array<i32>} : memref<128x128xf32, #tpu.memory_space<vmem>>, vector<1x16xf32>,
      %swap3A_136 = arith.index_cast %scan3A_37 : i32 to index
      %swap3A_137 = arith.constant 112 : index
      %swap3A_138 = tpu.vector_load %arg10[%swap3A_136, %swap3A_137] {strides = array<i32>} : memref<128x128xf32, #tpu.memory_space<vmem>>, vector<1x16xf32>,
      %swap3A_139 = vector.shape_cast %swap3A_138 : vector<1x16xf32> to vector<16xf32>
      %swap3A_140 = vector.shape_cast %scan3A_95#3 : vector<16xf32> to vector<1x16xf32>
      tpu.vector_store %arg10[%swap3A_136, %swap3A_137], %swap3A_140 {strides = array<i32>} : memref<128x128xf32, #tpu.memory_space<vmem>>, vector<1x16xf32>,
    }
    %scan3A_36 = arith.constant 128 : i32
    "tpu.region"() ({
      %run_scoped3A = tpu.sem_alloc : memref<!tpu.dma_semaphore, #tpu.memory_space<semaphore_mem>>
      %dma_start3A_37 = arith.constant 0 : i32
      %dma_start3A_38 = tpu.memref_slice %arg4[%mul3A_2, %dma_start3A_37] : memref<4096x128xf32, #tpu.memory_space<hbm>> -> memref<128x128xf32, #tpu.memory_space<hbm>>
      %dma_start3A_39 = arith.constant 0 : i32
      %dma_start3A_40 = tpu.memref_slice %arg4[%mul3A_2, %dma_start3A_39] : memref<4096x128xf32, #tpu.memory_space<hbm>> -> memref<128x128xf32, #tpu.memory_space<hbm>>
      tpu.enqueue_dma source(%arg10 : memref<128x128xf32, #tpu.memory_space<vmem>>) target(%dma_start3A_40 : memref<128x128xf32, #tpu.memory_space<hbm>>) target_semaphore(%run_scoped3A : memref<!tpu.dma_semaphore, #tpu.memory_space<semaphore_mem>>)
      %dma_wait3A = arith.constant 0 : i32
      %dma_wait3A_41 = tpu.memref_slice %arg4[%mul3A_2, %dma_wait3A] : memref<4096x128xf32, #tpu.memory_space<hbm>> -> memref<128x128xf32, #tpu.memory_space<hbm>>
      %dma_wait3A_42 = arith.constant 0 : i32
      %dma_wait3A_43 = tpu.memref_slice %arg4[%mul3A_2, %dma_wait3A_42] : memref<4096x128xf32, #tpu.memory_space<hbm>> -> memref<128x128xf32, #tpu.memory_space<hbm>>
      tpu.wait_dma2 semaphore(%run_scoped3A : memref<!tpu.dma_semaphore, #tpu.memory_space<semaphore_mem>>) src(%arg10 : memref<128x128xf32, #tpu.memory_space<vmem>>) dst(%dma_wait3A_43 : memref<128x128xf32, #tpu.memory_space<hbm>>)
      tpu.yield
    }) : () -> ()
    return
  }
}

module attributes {stable_mosaic.version = 14 : i64} {
  func.func @dup_kernel(%arg0: i32, %arg1: memref<64x32768xf32, #tpu.memory_space<vmem>>, %arg2: memref<32768x128xf32, #tpu.memory_space<vmem>>) attributes {dimension_semantics = [#tpu.dimension_semantics<arbitrary>], iteration_bounds = array<i64: 31>, scalar_prefetch = 0 : i64, scratch_operands = 0 : i64, tpu.core_type = #tpu.core_type<tc>, window_params = [{transform_indices = @transform_0, window_bounds = array<i64: 64, 32768>}, {transform_indices = @transform_1, window_bounds = array<i64: 32768, 128>}]} {
    %get3A = arith.constant 0 : index
    %get3A_0 = arith.constant 0 : index
    %get3A_1 = vector.load %arg1[%get3A, %get3A_0] : memref<64x32768xf32, #tpu.memory_space<vmem>>, vector<64x32768xf32>
    %transpose3A = tpu.transpose %get3A_1, [1, 0] : vector<64x32768xf32> -> vector<32768x64xf32>
    %concatenate3A = tpu.concatenate %transpose3A, %transpose3A in 1 : vector<32768x64xf32>, vector<32768x64xf32> -> vector<32768x128xf32>
    %swap3A = arith.constant 0 : index
    %swap3A_2 = arith.constant 0 : index
    %swap3A_3 = vector.load %arg2[%swap3A, %swap3A_2] : memref<32768x128xf32, #tpu.memory_space<vmem>>, vector<32768x128xf32>
    tpu.vector_store %arg2[%swap3A, %swap3A_2], %concatenate3A {strides = array<i32>} : memref<32768x128xf32, #tpu.memory_space<vmem>>, vector<32768x128xf32>,
    return
  }
  func.func @transform_0(%arg0: i32) -> (i32, i32) {
    %c0_i32 = arith.constant 0 : i32
    %c0_i32_0 = arith.constant 0 : i32
    return %c0_i32, %arg0 : i32, i32
  }
  func.func @transform_1(%arg0: i32) -> (i32, i32) {
    %c0_i32 = arith.constant 0 : i32
    %c0_i32_0 = arith.constant 0 : i32
    return %arg0, %c0_i32 : i32, i32
  }
}

module attributes {stable_mosaic.version = 14 : i64} {
  func.func @head_kernel(%arg0: memref<4096x128xf32, #tpu.memory_space<vmem>>, %arg1: memref<1x128xf32, #tpu.memory_space<vmem>>, %arg2: memref<1xf32, #tpu.memory_space<smem>>, %arg3: memref<4096x1xf32, #tpu.memory_space<vmem>>) attributes {dimension_semantics = [], scalar_prefetch = 0 : i64, scratch_operands = 0 : i64, tpu.core_type = #tpu.core_type<tc>} {
    %get3A = arith.constant 0 : index
    %get3A_0 = arith.constant 0 : index
    %get3A_1 = vector.load %arg0[%get3A, %get3A_0] : memref<4096x128xf32, #tpu.memory_space<vmem>>, vector<4096x128xf32>
    %get3A_2 = arith.constant 0 : index
    %get3A_3 = arith.constant 0 : index
    %get3A_4 = vector.load %arg1[%get3A_2, %get3A_3] : memref<1x128xf32, #tpu.memory_space<vmem>>, vector<1x128xf32>
    %mul3A = vector.broadcast %get3A_4 : vector<1x128xf32> to vector<4096x128xf32>
    %mul3A_5 = arith.mulf %get3A_1, %mul3A : vector<4096x128xf32>
    %reduce_sum3A = arith.constant dense<0.000000e+00> : vector<4096xf32>
    %reduce_sum3A_6 = vector.multi_reduction <add>, %mul3A_5, %reduce_sum3A [1] : vector<4096x128xf32> to vector<4096xf32>
    %broadcast_in_dim3A = vector.shape_cast %reduce_sum3A_6 : vector<4096xf32> to vector<4096x1xf32>
    %get3A_7 = arith.constant 0 : index
    %get3A_8 = memref.load %arg2[%get3A_7] : memref<1xf32, #tpu.memory_space<smem>>
    %add3A = vector.broadcast %get3A_8 : f32 to vector<4096x1xf32>
    %add3A_9 = arith.addf %broadcast_in_dim3A, %add3A : vector<4096x1xf32>
    %logistic3A = arith.negf %add3A_9 : vector<4096x1xf32>
    %logistic3A_10 = math.exp %logistic3A : vector<4096x1xf32>
    %logistic3A_11 = arith.constant 1.000000e+00 : f32
    %logistic3A_12 = vector.broadcast %logistic3A_11 : f32 to vector<4096x1xf32>
    %logistic3A_13 = arith.addf %logistic3A_12, %logistic3A_10 : vector<4096x1xf32>
    %logistic3A_14 = arith.divf %logistic3A_12, %logistic3A_13 : vector<4096x1xf32>
    %swap3A = arith.constant 0 : index
    %swap3A_15 = arith.constant 0 : index
    %swap3A_16 = vector.load %arg3[%swap3A, %swap3A_15] : memref<4096x1xf32, #tpu.memory_space<vmem>>, vector<4096x1xf32>
    tpu.vector_store %arg3[%swap3A, %swap3A_15], %logistic3A_14 {strides = array<i32>} : memref<4096x1xf32, #tpu.memory_space<vmem>>, vector<4096x1xf32>,
    return
  }
}

</mosaic_0001>

<sc_bundles>
// kernel: kernel.5.cloned.1.call-start
scs
__scs_entry_jumppad:
0x0: {  	(pc) =	sbr.rel $0x88, $3  }
0x1: {  	(tag) =	ssettag $0x0;
	lr =	simm.s32 $0x1  }
0x2: {  	[smem:$0x3F9C] =	sst lr;
	_ =	strace $0xD0000000  }
0x3: {  	_ = 	snop  }
0x4: {  	_ = 	snop  }
0x5: {  	_ = 	snop  }
0x6: {  	_ = 	snop  }
0x7: {  	_ = 	snop  }
__scs_overlays_trampoline_lowered:
0x8: {  	[smem:$0x3FAB] =	sst s0  }
0x9: {  	[smem:$0x3FAC] =	sst s1  }
0xa: {  	[smem:$0x3FAD] =	sst s2  }
0xb: {  	[smem:$0x3FAE] =	sst s3  }
0xc: {  	[smem:$0x3FAF] =	sst s4  }
0xd: {  	[smem:$0x3FB0] =	sst s5  }
0xe: {  	[smem:$0x3FB1] =	sst s6  }
0xf: {  	[smem:$0x3FB2] =	sst s7  }
0x10: {  	[smem:$0x3FB3] =	sst s8  }
0x11: {  	[smem:$0x3FB4] =	sst s9;
	s0 =	simm.s32 @!p0 $0x0  }
0x12: {  	s1 =	sld [smem:$0x3F9A];
	s0 =	simm.s32 @p0 $0x1  }
0x13: {  	[smem:$0x3FB5] =	sst s0;
	s0 =	simm.s32 @!p1 $0x0  }
0x14: {  	s2 =	sld [smem:$0x3F99];
	s0 =	simm.s32 @p1 $0x1  }
0x15: {  	[smem:$0x3FB6] =	sst s0;
	s0 =	simm.s32 @!p2 $0x0  }
0x16: {  	s3 =	sld [smem:$0x3FDB];
	s0 =	simm.s32 @p2 $0x1  }
0x17: {  	s4 =	simm.s32 $0x1BF5;
	[smem:$0x3FB8] =	sst s0  }
0x18: {  	s0 =	sld [smem:$0x3F9B];
	_ =	swait.ge [sflag:s4], $0x0  }
0x19: {  	s7 =	sld [smem:$0x3F9C]  }
0x1a: {  	s8 =	sadd.s32 $0xFFFFE003, lr  }
0x1b: {  	s9 =	sadd.s32 $0xFFFFFEF7, lr;
	s5 =	simm.s32 $0xFFFFFFFF;
	p2 =	slt.u32 s8, $0xFFFFF086  }
0x1c: {  	p1 =	slt.u32 s9, $0xF7A;
	s5 =	simm.s32 @!p2 $0x0  }
0x1d: {  	s5 =	simm.s32 @p1 $0x1;
	p0 =	seq.s32 s7, s2  }
0x1e: {  	s7 =	smul.u32 @!p0 $0xF7A, s2;
	p2 =	seq.s32 @!p0 s5, $0x0  }
0x1f: {  	s9 =	smul.u32 $0xF7A, s1;
	s8 =	simm.s32 @!p0 $0x1BF5;
	p2 =	por !p2, p0  }
0x20: {  	[sflag:s8] =	ssyncset.s32 @!p0 $0xFFFFF086;
	s6 =	sadd.s32 @!p0 s3, s7;
	s7 =	simm.s32 @!p0 $0x108  }
0x21: {  	s3 =	sadd.s32 s3, s9;
	s6 =	sadd.s32 @!p0 $0x88, s6;
	s7 =	simm.s32 @p2 $0x1082  }
0x22: {  	[simem:s7], [sflag:s8] =	dma.local @!p0 [hbm:s6], $0xF7A  }
0x23: {  	s9 =	sor.u32 $0xD0000000, s2;
	s6 =	simm.s32 $0x108;
	_ =	swait.ge @!p0 [sflag:s8], $0x0  }
0x24: {  	s3 =	sadd.s32 $0x88, s3;
	s6 =	simm.s32 @!p1 $0x1082;
	[sflag:s4] =	ssyncset.s32 $0xFFFFF086  }
0x25: {  	[simem:s6], [sflag:s4] =	dma.local [hbm:s3], $0xF7A  }
0x26: {  	[smem:$0x3F9C] =	sst s1;
	(tag) =	ssettag s2;
	_ =	strace s9  }
0x27: {  	s1 =	sld [smem:$0x3FAC]  }
0x28: {  	s2 =	sld [smem:$0x3FAD]  }
0x29: {  	s4 =	sld [smem:$0x3FAF]  }
0x2a: {  	p0 =	seq.s32 s5, $0x0;
	s5 =	sld [smem:$0x3FB0]  }
0x2b: {  	s6 =	sld [smem:$0x3FB1]  }
0x2c: {  	s7 =	sld [smem:$0x3FB2]  }
0x2d: {  	s3 =	simm.s32 $0x108;
	s8 =	sld [smem:$0x3FB3]  }
0x2e: {  	s3 =	simm.s32 @!p0 $0x1082;
	s9 =	sld [smem:$0x3FB4]  }
0x2f: {  	lr =	sadd.s32 s0, s3;
	s0 =	sld [smem:$0x3FAB]  }
0x30: {  	s3 =	sld [smem:$0x3FAE]  }
0x31: {  	[smem:$0x3FB7] =	sst s10  }
0x32: {  	s10 =	sld [smem:$0x3FB5];
	_ =	sdelay $0x3  }
0x33: {  	p0 =	seq.s32 s10, $0x1;
	s10 =	sld [smem:$0x3FB7];
	_ =	sdelay $0x3  }
0x34: {  	[smem:$0x3FB7] =	sst s10  }
0x35: {  	s10 =	sld [smem:$0x3FB6];
	_ =	sdelay $0x3  }
0x36: {  	p1 =	seq.s32 s10, $0x1;
	s10 =	sld [smem:$0x3FB7];
	_ =	sdelay $0x3  }
0x37: {  	[smem:$0x3FB7] =	sst s10  }
0x38: {  	s10 =	sld [smem:$0x3FB8]  }
0x39: {  	_ = 	snop;
	(pc) =	sbr.ind lr, $3  }
0x3a: {  	_ = 	snop  }
0x3b: {  	_ = 	snop  }
0x3c: {  	p2 =	seq.s32 s10, $0x1;
	s10 =	sld [smem:$0x3FB7]  }
0x3d: {  	_ =	shalt  }
0x3e: {  	_ =	shalt  }
0x3f: {  	_ =	shalt  }
0x40: {  	_ =	shalt  }
0x41: {  	_ =	shalt  }
0x42: {  	_ =	shalt  }
0x43: {  	_ =	shalt  }
0x44: {  	_ =	shalt  }
0x45: {  	_ =	shalt  }
0x46: {  	_ =	shalt  }
0x47: {  	_ =	shalt  }
0x48: {  	_ =	shalt  }
0x49: {  	_ =	shalt  }
0x4a: {  	_ =	shalt  }
0x4b: {  	_ =	shalt  }
0x4c: {  	_ =	shalt  }
0x4d: {  	_ =	shalt  }
0x4e: {  	_ =	shalt  }
0x4f: {  	_ =	shalt  }
0x50: {  	_ =	shalt  }
0x51: {  	_ =	shalt  }
0x52: {  	_ =	shalt  }
0x53: {  	_ =	shalt  }
0x54: {  	_ =	shalt  }
0x55: {  	_ =	shalt  }
0x56: {  	_ =	shalt  }
0x57: {  	_ =	shalt  }
0x58: {  	_ =	shalt  }
0x59: {  	_ =	shalt  }
0x5a: {  	_ =	shalt  }
0x5b: {  	_ =	shalt  }
0x5c: {  	_ =	shalt  }
0x5d: {  	_ =	shalt  }
0x5e: {  	_ =	shalt  }
0x5f: {  	_ =	shalt  }
0x60: {  	_ =	shalt  }
0x61: {  	_ =	shalt  }
0x62: {  	_ =	shalt  }
0x63: {  	_ =	shalt  }
0x64: {  	_ =	shalt  }
0x65: {  	_ =	shalt  }
0x66: {  	_ =	shalt  }
0x67: {  	_ =	shalt  }
0x68: {  	_ =	shalt  }
0x69: {  	_ =	shalt  }
0x6a: {  	_ =	shalt  }
0x6b: {  	_ =	shalt  }
0x6c: {  	_ =	shalt  }
0x6d: {  	_ =	shalt  }
0x6e: {  	_ =	shalt  }
0x6f: {  	_ =	shalt  }
0x70: {  	_ =	shalt  }
0x71: {  	_ =	shalt  }
0x72: {  	_ =	shalt  }
0x73: {  	_ =	shalt  }
0x74: {  	_ =	shalt  }
0x75: {  	_ =	shalt  }
0x76: {  	_ =	shalt  }
0x77: {  	_ =	shalt  }
0x78: {  	_ =	shalt  }
0x79: {  	_ =	shalt  }
0x7a: {  	_ =	shalt  }
0x7b: {  	_ =	shalt  }
0x7c: {  	_ =	shalt  }
0x7d: {  	_ =	shalt  }
0x7e: {  	_ =	shalt  }
0x7f: {  	_ =	shalt  }
0x80: {  	_ =	shalt  }
0x81: {  	_ =	shalt  }
0x82: {  	_ =	shalt  }
0x83: {  	_ =	shalt  }
0x84: {  	_ =	shalt  }
0x85: {  	_ =	shalt  }
0x86: {  	_ =	shalt  }
0x87: {  	_ =	shalt  }
.Lfunc_end0:
.L_simem_size_0:
called_computation_lowered:
.L_overlay_start_0:
0x88: {  	s2 =	sld [smem:$0x3FD9]  }
0x89: {  	s3 =	sld [smem:$0x3FFE];
	_ =	sdelay $0x1  }
0x8a: {  	s1 =	srdreg.scid  }
0x8b: {  	s0 =	sand.u32 $0x1, s1  }
0x8c: {  	s16 =	sshll.u32 s0, $0xA;
	s2 =	sadd.s32 s3, s2  }
0x8d: {  	s2 =	sadd.s32 s2, s16  }
0x8e: {  	[smem:$0x3FC3] =	sst s2  }
0x8f: {  	_ = 	snop  }
0x90: {  	(tm) =	ssettm $0x1  }
0x91: {  	s17 =	sld [smem:$0x3FFB];
	_ =	sdelay $0x3  }
0x92: {  	_ =	strace s17  }
0x93: {  	s2 =	sld [smem:$0x3FFC];
	_ =	sdelay $0x3  }
0x94: {  	_ =	strace s2  }
0x95: {  	s2 =	sld [smem:$0x3FFD];
	_ =	sdelay $0x3  }
0x96: {  	_ =	strace s2  }
0x97: {  	_ =	strace $0x8FFFFFFF  }
0x98: {  	s18 =	sld [smem:$0x3FDB];
	_ =	sdelay $0x1  }
0x99: {  	s19 =	simm.s32 $_scs_section_size  }
0x9a: {  	s4 =	simm.s32 $_size__tile_overlayer_lowered;
	s5 =	simm.s32 $_tile_overlayer_lowered  }
0x9b: {  	s22 =	simm.s32 $0x1BFF;
	s21 =	sshll.u32 s5, $0x1;
	s2 =	sadd.s32 s19, s18  }
0x9c: {  	s6 =	simm.s32 $0x0;
	s20 =	sshll.u32 s4, $0x1;
	s4 =	sadd.s32 s21, s2  }
0x9d: {  	[timem:s6], [sflag:s22] =	dma.local [hbm:s4], s20  }
0x9e: {  	_ =	swait.ge [sflag:s22], s20  }
0x9f: {  	s3 =	ssub.s32 $0x0, s20;
	[sflag:s22] =	ssyncset.done $0x0  }
0xa0: {  	[sflag:s22] =	ssyncadd.s32 s3;
	_ =	sdelay $0x1  }
0xa1: {  	s23 =	simm.s32 $0x1B8B  }
0xa2: {  	_ =	swait.ge [sflag:s23], $0x1  }
0xa3: {  	[sflag:s23] =	ssyncset.done $0x0  }
0xa4: {  	s25 =	simm.s32 $0x1B8E;
	s24 =	sld [smem:$0x3FFE];
	[sflag:s23] =	ssyncadd.s32 $0xFFFFFFFF  }
0xa5: {  	s26 =	simm.s32 $execute0_lowered;
	[smem:$0x3FD2] =	sst s25  }
0xa6: {  	s4 =	sshll.u32 s26, $0x1;
	_ =	strace $0x80000046;
	[dreg:$0x1] =	wrdreg $0xFFFFFFFF  }
0xa7: {  	s28 =	simm.s32 $_size_execute0_lowered;
	s2 =	sadd.s32 s2, s4;
	[dreg:$0x0] =	wrdreg $0x0  }
0xa8: {  	s4 =	sshll.u32 s28, $0x1;
	[dreg:$0x2] =	wrdreg s2  }
0xa9: {  	[dreg:$0x3] =	wrdreg s4  }
0xaa: {  	[dreg:$0x4] =	wrdreg $0xC0  }
0xab: {  	_ =	task [dreg:s6], $0x5FFFF  }
0xac: {  	[dreg:$0x1] =	wrdreg $0xFFFFFFFF  }
0xad: {  	[dreg:$0x0] =	wrdreg $0x60  }
0xae: {  	[dreg:$0x2] =	wrdreg s24  }
0xaf: {  	[dreg:$0x3] =	wrdreg $0x9  }
0xb0: {  	_ =	task.clear_ibuf [dreg:s6], $0x4FFFF;
	_ =	strace $0x90000046  }
0xb1: {  	s29 =	simm.s32 $0x9;
	_ =	strace $0x80000048  }
0xb2: {  	_ =	swait.ge [sflag:s29], $0x1  }
0xb3: {  	[sflag:s29] =	ssyncadd.s32 $0xFFFFFFFF  }
0xb4: {  	_ =	strace $0x90000048  }
0xb5: {  	_ =	sfence  }
0xb6: {  	s30 =	sld [smem:$0x0];
	_ =	sdelay $0x2  }
0xb7: {  	s31 =	sshll.u32 s1, $0xD;
	s1 =	sshrl.u32 s1, $0x2  }
0xb8: {  	s3 =	sand.u32 $0x4000, s31;
	s1 =	sadd.s32 s1, s30  }
0xb9: {  	s0 =	sor.u32 s3, s0;
	s1 =	sshll.u32 s1, $0x11  }
0xba: {  	s0 =	sor.u32 s1, s0  }
0xbb: {  	s0 =	sadd.s32 $0x8F2B, s0  }
0xbc: {  	[sflag:s0] =	ssyncadd.remote.s32 $0x1  }
0xbd: {  	_ =	sfence.sel $0xFFFF  }
0xbe: {  	[dreg:$0x0] =	wrdreg $0xFFFFFFFF;
	(pc) =	sbr.abs _section_cstart, $3  }
0xbf: {  	[dreg:$0x1] =	wrdreg $0xFFFFFFFF  }
0xc0: {  	_ =	task.clear_ibuf [dreg:s6], $0x2FFFF;
	_ =	strace $0x9FFFFFFF  }
0xc1: {  	(tm) =	ssettm $0x7FFFFFFF  }
tec
execute0_lowered:
.L_overlay_start_1:
0x0: {  	(tag) =	ssettag $0x1  }
0x1: {  	s1 =	srdreg.scid  }
0x2: {  	s0 =	stileid.u32;
	s4 =	rddreg [dreg:$0x0]  }
0x3: {  	s2 =	simm.s32 $0x0;
	s9 =	simm.s32 $0xC800;
	s10 =	simm.s32 $0x68  }
0x4: {  	s11 =	simm.s32 $0xF800;
	s12 =	simm.s32 $0xC8;
	s13 =	simm.s32 $0x12C00  }
0x5: {  	s14 =	simm.s32 $0x128;
	s15 =	simm.s32 $0x15C00;
	s16 =	simm.s32 $0x1  }
0x6: {  	s17 =	simm.s32 $0x2;
	s18 =	simm.s32 $0x3;
	s19 =	simm.s32 $0x4  }
0x7: {  	s20 =	simm.s32 $0x19000;
	s3 =	sand.u32 $0x1, s1;
	s1 =	rddreg [dreg:$0x1]  }
0x8: {  	s21 =	simm.s32 $0x0;
	s5 =	sshll.u32 s0, $0x1;
	[smem:$0x7FF] =	sst s2  }
0x9: {  	s5 =	sor.u32 s3, s5;
	_ =	strace $0x80000047;
	s7 =	ssub.s32 $0x2, s3  }
0xa: {  	s6 =	smul.u32 $0x1900, s5;
	s5 =	sshll.u32 s5, $0xB;
	s8 =	sshrl.u32 s7, $0x1  }
0xb: {  	s3 =	sadd.s32 $0x32400, s4;
	s5 =	sadd.s32 s5, s4;
	s7 =	ssub.s32 s7, s8  }
0xc: {  	s8 =	simm.s32 $0x60;
	s6 =	sadd.s32 s6, s4;
	s5 =	sadd.s32 $0xF74800, s5  }
0xd: {  	s4 =	sadd.s32 $0x400, s6;
	s6 =	smax.u32 s7, $0x1;
	s7 =	simm.s32 $0x5  }
.LBB2_1:
0xe: {  	[tilespmem:s2], [sflag:$0x5] =	stream.linear.gather [hbm4b:s4+s2], $0xC800, $0x38;
	[tilespmem:$0x1D000] =	vst v63  }
0xf: {  	_ =	swait.ge [sflag:s7], $0xC800  }
0x10: {  	[sflag:s7] =	ssyncset.done $0x0  }
0x11: {  	[sflag:s7] =	ssyncadd.s32 $0xFFFF3800  }
0x12: {  	[tilespmem:s9], [sflag:$0x1] =	stream.indirect.gather [hbm4b:s3+s8], $0x80, s2, s8, $0xb8;
	[tilespmem:$0x1D000] =	vst v63  }
0x13: {  	_ = 	snop  }
0x14: {  	[tilespmem:s11], [sflag:$0x2] =	stream.indirect.gather [hbm4b:s3+s10], $0x80, s8, s10, $0xb8;
	[tilespmem:$0x1D000] =	vst v63  }
0x15: {  	_ = 	snop  }
0x16: {  	[tilespmem:s13], [sflag:$0x3] =	stream.indirect.gather [hbm4b:s3+s8], $0x80, s12, s8, $0xb8;
	[tilespmem:$0x1D000] =	vst v63  }
0x17: {  	s22 =	simm.s32 $0x0  }
0x18: {  	[tilespmem:s15], [sflag:$0x4] =	stream.indirect.gather [hbm4b:s3+s10], $0x80, s14, s10, $0xb8;
	[tilespmem:$0x1D000] =	vst v63  }
.LBB2_2:
0x19: {  	_ =	swait.ge [sflag:s16], $0x3000  }
0x1a: {  	[sflag:s16] =	ssyncset.done $0x0  }
0x1b: {  	s24 =	simm.s32 $0xC880;
	[sflag:s16] =	ssyncadd.s32 $0xFFFFD000  }
0x1c: {  	v9 =	vld [tilespmem:s24+$0x0]  }
0x1d: {  	v0 =	vld [tilespmem:s24+$0x10]  }
0x1e: {  	v3 =	vld [tilespmem:s24+$0x20]  }
0x1f: {  	v4 =	vld [tilespmem:s24+$0xFFFFFF80]  }
0x20: {  	v2 =	vld [tilespmem:s24+$0xFFFFFF90]  }
0x21: {  	v5 =	vld [tilespmem:s24+$0xFFFFFFA0]  }
0x22: {  	v6 =	vimm.f32 $-Inf;
	v14 =	vld [tilespmem:s24+$0xFFFFFFB0]  }
0x23: {  	s23 =	simm.s32 $0x0;
	v15 =	vimm.f32 $-Inf;
	v16 =	vimm.f32 $-Inf;
	v17 =	vimm.f32 $-Inf;
	v7 =	vld [tilespmem:s24+$0x30];
	s24 =	simm.s32 $0xC980  }
.LBB2_3:
0x24: {  	v1 =	vld [tilespmem:s24+$0x0]  }
0x25: {  	v4 =	vmax.f32 v6, v4;
	s23 =	sadd.s32 $0x2, s23;
	v8 =	vld [tilespmem:s24+$0x10]  }
0x26: {  	v6 =	vmax.f32 v4, v9;
	p0 =	slt.u32 s23, $0x5E;
	v10 =	vld [tilespmem:s24+$0x20]  }
.Ltmp0:
0x27: {  	v12 =	vmax.f32 v15, v2;
	v5 =	vmax.f32 v16, v5;
	v4 =	vld [tilespmem:s24+$0xFFFFFF80];
	v11 =	vmax.f32 v17, v14;
	(pc) =	sbr.rel @p0 .LBB2_3-.Ltmp0, $4  }
0x28: {  	v15 =	vmax.f32 v12, v0;
	v16 =	vmax.f32 v5, v3;
	v2 =	vld [tilespmem:s24+$0xFFFFFF90];
	v17 =	vmax.f32 v11, v7  }
0x29: {  	v5 =	vld [tilespmem:s24+$0xFFFFFFA0];
	v9 =	vmov v1  }
0x2a: {  	v14 =	vld [tilespmem:s24+$0xFFFFFFB0];
	v0 =	vmov v8  }
0x2b: {  	v7 =	vld [tilespmem:s24+$0x30];
	s24 =	sadd.s32 $0x100, s24;
	v3 =	vmov v10  }
0x2c: {  	p0 =	seq.s32 s22, $0x7F  }
0x2d: {  	s23 =	smul.u32 @!p0 $0x640, s22;
	_ =	sdelay $0x1  }
0x2e: {  	s23 =	sshra.s32 @!p0 s23, $0x2  }
0x2f: {  	s25 =	simm.s32 @!p0 $0x60;
	s26 =	simm.s32 @!p0 $0xC800;
	s24 =	sadd.s32 @!p0 $0x190, s23  }
0x30: {  	[tilespmem:s26], [sflag:$0x1] =	stream.indirect.gather @!p0 [hbm4b:s3+s25], $0x80, s24, s25, $0xb8;
	[tilespmem:$0x1D000] =	vst v63  }
0x31: {  	_ =	swait.ge [sflag:s17], $0x3400  }
0x32: {  	[sflag:s17] =	ssyncset.done $0x0  }
0x33: {  	s31 =	simm.s32 $0xF880;
	[sflag:s17] =	ssyncadd.s32 $0xFFFFCC00  }
0x34: {  	v13 =	vld [tilespmem:s31+$0x0]  }
0x35: {  	v1 =	vld [tilespmem:s31+$0x10]  }
0x36: {  	v8 =	vld [tilespmem:s31+$0x20]  }
0x37: {  	v10 =	vld [tilespmem:s31+$0xFFFFFF80]  }
0x38: {  	v4 =	vmax.f32 v6, v4;
	v6 =	vld [tilespmem:s31+$0xFFFFFF90]  }
0x39: {  	v11 =	vmax.f32 v4, v9;
	v12 =	vld [tilespmem:s31+$0xFFFFFFA0]  }
0x3a: {  	v2 =	vmax.f32 v15, v2;
	v4 =	vmax.f32 v16, v5;
	v5 =	vmax.f32 v17, v14;
	v15 =	vld [tilespmem:s31+$0xFFFFFFB0]  }
0x3b: {  	v14 =	vmax.f32 v2, v0;
	v0 =	vmax.f32 v4, v3;
	v3 =	vmax.f32 v5, v7;
	s24 =	simm.s32 $0x0;
	s25 =	simm.s32 $0xF980;
	v16 =	vld [tilespmem:s31+$0x30]  }
.LBB2_5:
0x3c: {  	v2 =	vld [tilespmem:s25+$0x0]  }
0x3d: {  	v5 =	vmax.f32 v11, v10;
	s24 =	sadd.s32 $0x2, s24;
	v4 =	vld [tilespmem:s25+$0x10]  }
0x3e: {  	v11 =	vmax.f32 v5, v13;
	p1 =	slt.u32 s24, $0x66;
	v7 =	vld [tilespmem:s25+$0x20]  }
.Ltmp1:
0x3f: {  	v5 =	vmax.f32 v14, v6;
	v0 =	vmax.f32 v0, v12;
	v10 =	vld [tilespmem:s25+$0xFFFFFF80];
	v3 =	vmax.f32 v3, v15;
	(pc) =	sbr.rel @p1 .LBB2_5-.Ltmp1, $4  }
0x40: {  	v14 =	vmax.f32 v5, v1;
	v0 =	vmax.f32 v0, v8;
	v6 =	vld [tilespmem:s25+$0xFFFFFF90];
	v3 =	vmax.f32 v3, v16  }
0x41: {  	v12 =	vld [tilespmem:s25+$0xFFFFFFA0];
	v13 =	vmov v2  }
0x42: {  	v15 =	vld [tilespmem:s25+$0xFFFFFFB0];
	v1 =	vmov v4  }
0x43: {  	v16 =	vld [tilespmem:s25+$0x30];
	s25 =	sadd.s32 $0x100, s25;
	v8 =	vmov v7  }
0x44: {  	s24 =	sadd.s32 @!p0 $0x1F0, s23;
	s25 =	simm.s32 @!p0 $0x68;
	s26 =	simm.s32 @!p0 $0xF800  }
0x45: {  	[tilespmem:s26], [sflag:$0x2] =	stream.indirect.gather @!p0 [hbm4b:s3+s25], $0x80, s24, s25, $0xb8;
	[tilespmem:$0x1D000] =	vst v63  }
0x46: {  	_ =	swait.ge [sflag:s18], $0x3000  }
0x47: {  	[sflag:s18] =	ssyncset.done $0x0  }
0x48: {  	s31 =	simm.s32 $0x12C80;
	[sflag:s18] =	ssyncadd.s32 $0xFFFFD000  }
0x49: {  	v9 =	vld [tilespmem:s31+$0x0]  }
0x4a: {  	v4 =	vld [tilespmem:s31+$0x10]  }
0x4b: {  	v5 =	vld [tilespmem:s31+$0x20]  }
0x4c: {  	v7 =	vld [tilespmem:s31+$0xFFFFFF80]  }
0x4d: {  	v2 =	vmax.f32 v11, v10;
	v17 =	vimm.f32 $-Inf;
	v10 =	vmax.f32 v14, v6;
	v6 =	vld [tilespmem:s31+$0xFFFFFF90]  }
0x4e: {  	v18 =	vimm.f32 $-Inf;
	v11 =	vmax.f32 v3, v15;
	v3 =	vmax.f32 v10, v1;
	v10 =	vld [tilespmem:s31+$0xFFFFFFA0]  }
0x4f: {  	v2 =	vmax.f32 v2, v13;
	v13 =	vimm.f32 $-Inf;
	v0 =	vmax.f32 v0, v12;
	v14 =	vld [tilespmem:s31+$0xFFFFFFB0]  }
0x50: {  	s24 =	simm.s32 $0x0;
	s25 =	simm.s32 $0x12D80;
	v1 =	vmax.f32 v0, v8;
	v0 =	vmax.f32 v11, v16;
	v16 =	vimm.f32 $-Inf;
	v12 =	vld [tilespmem:s31+$0x30]  }
.LBB2_7:
0x51: {  	v8 =	vld [tilespmem:s25+$0x0]  }
0x52: {  	v7 =	vmax.f32 v13, v7;
	s24 =	sadd.s32 $0x2, s24;
	v11 =	vld [tilespmem:s25+$0x10]  }
0x53: {  	v13 =	vmax.f32 v7, v9;
	p1 =	slt.u32 s24, $0x5E;
	v15 =	vld [tilespmem:s25+$0x20]  }
.Ltmp2:
0x54: {  	v19 =	vmax.f32 v16, v6;
	v10 =	vmax.f32 v17, v10;
	v7 =	vld [tilespmem:s25+$0xFFFFFF80];
	v14 =	vmax.f32 v18, v14;
	(pc) =	sbr.rel @p1 .LBB2_7-.Ltmp2, $4  }
0x55: {  	v16 =	vmax.f32 v19, v4;
	v17 =	vmax.f32 v10, v5;
	v6 =	vld [tilespmem:s25+$0xFFFFFF90];
	v18 =	vmax.f32 v14, v12  }
0x56: {  	v10 =	vld [tilespmem:s25+$0xFFFFFFA0];
	v9 =	vmov v8  }
0x57: {  	v14 =	vld [tilespmem:s25+$0xFFFFFFB0];
	v4 =	vmov v11  }
0x58: {  	v12 =	vld [tilespmem:s25+$0x30];
	s25 =	sadd.s32 $0x100, s25;
	v5 =	vmov v15  }
0x59: {  	s24 =	sadd.s32 @!p0 $0x258, s23;
	s25 =	simm.s32 @!p0 $0x60;
	s26 =	simm.s32 @!p0 $0x12C00  }
0x5a: {  	[tilespmem:s26], [sflag:$0x3] =	stream.indirect.gather @!p0 [hbm4b:s3+s25], $0x80, s24, s25, $0xb8;
	[tilespmem:$0x1D000] =	vst v63  }
0x5b: {  	_ =	swait.ge [sflag:s19], $0x3400  }
0x5c: {  	[sflag:s19] =	ssyncset.done $0x0  }
0x5d: {  	s31 =	simm.s32 $0x15C80;
	[sflag:s19] =	ssyncadd.s32 $0xFFFFCC00  }
0x5e: {  	v19 =	vld [tilespmem:s31+$0x0]  }
0x5f: {  	v8 =	vld [tilespmem:s31+$0x10]  }
0x60: {  	v11 =	vld [tilespmem:s31+$0x20]  }
0x61: {  	v15 =	vld [tilespmem:s31+$0xFFFFFF80]  }
0x62: {  	v13 =	vmax.f32 v13, v7;
	v7 =	vld [tilespmem:s31+$0xFFFFFF90]  }
0x63: {  	v13 =	vmax.f32 v13, v9;
	v9 =	vld [tilespmem:s31+$0xFFFFFFA0]  }
0x64: {  	v16 =	vmax.f32 v16, v6;
	v10 =	vmax.f32 v17, v10;
	v17 =	vmax.f32 v18, v14;
	v6 =	vld [tilespmem:s31+$0xFFFFFFB0]  }
0x65: {  	s24 =	simm.s32 $0x0;
	s25 =	simm.s32 $0x15D80;
	v14 =	vmax.f32 v16, v4;
	v5 =	vmax.f32 v10, v5;
	v4 =	vmax.f32 v17, v12;
	v10 =	vld [tilespmem:s31+$0x30]  }
.LBB2_9:
0x66: {  	v12 =	vld [tilespmem:s25+$0x0]  }
0x67: {  	v13 =	vmax.f32 v13, v15;
	s24 =	sadd.s32 $0x2, s24;
	v16 =	vld [tilespmem:s25+$0x10]  }
0x68: {  	v13 =	vmax.f32 v13, v19;
	p1 =	slt.u32 s24, $0x66;
	v17 =	vld [tilespmem:s25+$0x20]  }
.Ltmp3:
0x69: {  	v14 =	vmax.f32 v14, v7;
	v5 =	vmax.f32 v5, v9;
	v15 =	vld [tilespmem:s25+$0xFFFFFF80];
	v4 =	vmax.f32 v4, v6;
	(pc) =	sbr.rel @p1 .LBB2_9-.Ltmp3, $4  }
0x6a: {  	v14 =	vmax.f32 v14, v8;
	v5 =	vmax.f32 v5, v11;
	v7 =	vld [tilespmem:s25+$0xFFFFFF90];
	v4 =	vmax.f32 v4, v10  }
0x6b: {  	v9 =	vld [tilespmem:s25+$0xFFFFFFA0];
	v19 =	vmov v12  }
0x6c: {  	v6 =	vld [tilespmem:s25+$0xFFFFFFB0];
	v8 =	vmov v16  }
0x6d: {  	v10 =	vld [tilespmem:s25+$0x30];
	s25 =	sadd.s32 $0x100, s25;
	v11 =	vmov v17  }
0x6e: {  	s23 =	sadd.s32 @!p0 $0x2B8, s23  }
0x6f: {  	s24 =	simm.s32 @!p0 $0x68;
	s25 =	simm.s32 @!p0 $0x15C00;
	s31 =	sshll.u32 s22, $0x7  }
0x70: {  	[tilespmem:s25], [sflag:$0x4] =	stream.indirect.gather @!p0 [hbm4b:s3+s24], $0x80, s23, s24, $0xb8;
	[tilespmem:$0x1D000] =	vst v63  }
0x71: {  	v12 =	vmax.f32 v13, v15;
	s23 =	sand.u32 $0x3FFFFF80, s31  }
0x72: {  	v12 =	vmax.f32 v12, v19;
	[tilespmem:s23+$0x19000] =	vst v2  }
0x73: {  	s22 =	sadd.s32 $0x1, s22;
	[tilespmem:s23+$0x19040] =	vst v12  }
0x74: {  	p0 =	sne.s32 s22, $0x80;
	[tilespmem:s23+$0x19010] =	vst v3  }
.Ltmp4:
0x75: {  	v60 =	vmax.f32 v14, v7;
	[tilespmem:s23+$0x19020] =	vst v1;
	(pc) =	sbr.rel @p0 .LBB2_2-.Ltmp4, $4  }
0x76: {  	v2 =	vmax.f32 v60, v8;
	v61 =	vmax.f32 v5, v9;
	[tilespmem:s23+$0x19030] =	vst v0  }
0x77: {  	[tilespmem:s23+$0x19050] =	vst v2;
	v62 =	vmax.f32 v61, v11;
	v63 =	vmax.f32 v4, v6  }
0x78: {  	[tilespmem:s23+$0x19060] =	vst v62;
	v1 =	vmax.f32 v63, v10  }
0x79: {  	[tilespmem:s23+$0x19070] =	vst v1  }
0x7a: {  	s21 =	sadd.s32 $0x1, s21  }
0x7b: {  	p0 =	sne.s32 s21, s6  }
.Ltmp5:
0x7c: {  	_ = 	snop;
	(pc) =	sbr.rel @p0 .LBB2_1-.Ltmp5, $4  }
0x7d: {  	[hbm4b:s5+s2] =	stream.linear.scatter [tilespmem:s20], [sflag:$0x5], $0x4000, $0x38;
	[tilespmem:$0x1D000] =	vst v63  }
0x7e: {  	_ =	swait.ge [sflag:s7], $0x4000  }
0x7f: {  	[sflag:s7] =	ssyncset.done $0x0  }
0x80: {  	[sflag:s7] =	ssyncadd.s32 $0xFFFFC000  }
0x81: {  	_ =	sfence.sel $0x180000  }
0x82: {  	[bflag:$0x0] =	sbarrier.arrive $0xFFFF  }
0x83: {  	p0 =	sne.s32 s0, $0x0;
	_ =	strace $0x90000047  }
0x84: {  	s0 =	sadd.s32 @!p0 $0x100000, s1;
	[bflag:$0x2] =	sbarrier.arrive $0xFFFF  }
0x85: {  	[sflag:s0] =	ssyncadd.tile.s32 @!p0 $0x1;
	_ =	shalt  }
.Lfunc_end2:
_tile_overlayer_lowered:
.L_overlay_start_2:
0x86: {  	(tag) =	ssettag $0x2  }
0x87: {  	s0 =	rddreg [dreg:$0x0];
	s2 =	stileid.u32  }
0x88: {  	s1 =	rddreg [dreg:$0x1];
	p0 =	sne.s32 s2, $0x0  }
0x89: {  	s3 =	rddreg [dreg:$0x2];
	[bflag:$0x3] =	sbarrier.arrive $0xFFFF;
	s2 =	simm.s32 @!p0 $0x1C05  }
0x8a: {  	[timem:s3], [sflag:s2] =	dma.local @!p0 [hbm:s0], s1  }
0x8b: {  	s0 =	simm.s32 @!p0 $0x5  }
0x8c: {  	_ =	swait.ge @!p0 [sflag:s0], s1  }
0x8d: {  	s1 =	ssub.s32 @!p0 $0x0, s1;
	[sflag:s0] =	ssyncset.done @!p0 $0x0  }
0x8e: {  	[sflag:s0] =	ssyncadd.s32 @!p0 s1  }
0x8f: {  	[bflag:$0x3] =	sbarrier.arrive $0xFFFF  }
0x90: {  	_ =	shalt  }

</sc_bundles>
